<compile_context>
chip_gen: v7x
topology: tpu7x:2x2x1
jax: 0.10.2.dev20260603
libtpu: 0.0.44.dev20260713+nightly
codegen_flags: <defaults>
</compile_context>

<pallas_src>
import functools

import jax
import jax.numpy as jnp
from jax import lax
from jax.experimental import pallas as pl
from jax.experimental.pallas import tpu as pltpu
from jax.experimental.pallas import tpu_sc as plsc

_B = 16384
_L = 32
_H = 1024
_NB = 8


def _make_sc_bag_sum(bags, L, H, interpret=False):
    nw = 32
    bpw = bags // nw
    ch = H // 16
    stage_rows = 8
    mesh = plsc.VectorSubcoreMesh(core_axis_name="c", subcore_axis_name="s",
                                  num_cores=2, num_subcores=16)

    @functools.partial(
        pl.kernel,
        out_type=jax.ShapeDtypeStruct((bags, H), jnp.float32),
        mesh=mesh,
        scratch_types=[
            pltpu.VMEM((bpw * L,), jnp.int32),
            pltpu.VMEM((L, H), jnp.float32),
            pltpu.VMEM((stage_rows, H), jnp.float32),
            pltpu.SemaphoreType.DMA,
        ],
        interpret=interpret,
    )
    def sc_bag_sum(x_hbm, emb_hbm, out_hbm, idx_v, gbuf, stage, sem):
        wid = lax.axis_index("s") * 2 + lax.axis_index("c")
        base = wid * bpw
        pltpu.sync_copy(
            x_hbm.at[pl.ds(pl.multiple_of(base * L, 8), bpw * L)], idx_v)

        def bag_body(i, carry):
            idx_row = idx_v.at[pl.ds(i * L, L)]
            pltpu.async_copy(emb_hbm.at[idx_row], gbuf, sem).wait()
            slot = lax.rem(i, stage_rows)

            def chunk_body(c, carry2):
                c16 = c * 16
                acc = gbuf[0, pl.ds(c16, 16)]
                for r in range(1, L):
                    acc = acc + gbuf[r, pl.ds(c16, 16)]
                stage[slot, pl.ds(c16, 16)] = acc
                return carry2

            lax.fori_loop(0, ch, chunk_body, 0)

            @pl.when(slot == stage_rows - 1)
            def _flush():
                off = pl.multiple_of(base + i - (stage_rows - 1), stage_rows)
                pltpu.sync_copy(stage, out_hbm.at[pl.ds(off, stage_rows)])

            return carry

        lax.fori_loop(0, bpw, bag_body, 0)

    return sc_bag_sum


def _screlu(x):
    return jnp.clip(x, 0.0, 1.0) ** 2


def _dense_body(hw_ref, hb_ref, pc_ref, b1_ref, w1t_ref, w2t_ref, b2_ref,
                cpwt_ref, cpb_ref, wdlwt_ref, wdlb_ref, cp_ref, wdl_ref):
    blk = hw_ref.shape[0]
    hw = _screlu(hw_ref[...] + b1_ref[...])
    hb = _screlu(hb_ref[...] + b1_ref[...])
    z = (jnp.dot(hw, w1t_ref[...], preferred_element_type=jnp.float32)
         + jnp.dot(hb, w2t_ref[...], preferred_element_type=jnp.float32)
         + b2_ref[...])
    h2 = _screlu(z)
    cp_all = jnp.dot(h2, cpwt_ref[...], preferred_element_type=jnp.float32) + cpb_ref[...]
    wdl_all = jnp.dot(h2, wdlwt_ref[...], preferred_element_type=jnp.float32) + wdlb_ref[...]
    pc = pc_ref[...]
    m = jnp.maximum((pc - 2) * _NB, 0)
    bucket = jnp.minimum((m * 1093) >> 15, _NB - 1)
    cols = lax.broadcasted_iota(jnp.int32, (blk, _NB), 1)
    bmask = (cols == bucket).astype(jnp.float32)
    cp_ref[...] = jnp.sum(cp_all * bmask, axis=1, keepdims=True)
    w_ = jnp.sum(wdl_all[:, 0:_NB] * bmask, axis=1, keepdims=True)
    d_ = jnp.sum(wdl_all[:, _NB:2 * _NB] * bmask, axis=1, keepdims=True)
    l_ = jnp.sum(wdl_all[:, 2 * _NB:3 * _NB] * bmask, axis=1, keepdims=True)
    wdl_ref[...] = jnp.concatenate([w_, d_, l_], axis=1)


def _dense_tail(h_pre, piece_count, bias1, fc2_w, fc2_b, cp_w, cp_b, wdl_w, wdl_b,
                interpret=False):
    n = piece_count.shape[0]
    blk = 512
    grid = n // blk
    h = h_pre.shape[1]
    w1t = fc2_w[:, :h].T
    w2t = fc2_w[:, h:].T
    cpwt = cp_w.T
    wdlw_r = wdl_w.reshape(_NB, 3, wdl_w.shape[1]).transpose(1, 0, 2).reshape(3 * _NB, -1)
    wdlwt = wdlw_r.T
    wdlb_r = wdl_b.reshape(_NB, 3).T.reshape(1, 3 * _NB)
    pc2 = piece_count.astype(jnp.int32).reshape(n, 1)

    full = lambda a: pl.BlockSpec(a.shape, lambda i: (0,) * a.ndim)
    cp, wdl = pl.pallas_call(
        _dense_body,
        grid=(grid,),
        in_specs=[
            pl.BlockSpec((blk, h), lambda i: (i, 0)),
            pl.BlockSpec((blk, h), lambda i: (i + n // 512, 0)),
            pl.BlockSpec((blk, 1), lambda i: (i, 0)),
            full(bias1.reshape(1, h)),
            full(w1t),
            full(w2t),
            full(fc2_b.reshape(1, -1)),
            full(cpwt),
            full(cp_b.reshape(1, -1)),
            full(wdlwt),
            full(wdlb_r),
        ],
        out_specs=[
            pl.BlockSpec((blk, 1), lambda i: (i, 0)),
            pl.BlockSpec((blk, 3), lambda i: (i, 0)),
        ],
        out_shape=[
            jax.ShapeDtypeStruct((n, 1), jnp.float32),
            jax.ShapeDtypeStruct((n, 3), jnp.float32),
        ],
        interpret=interpret,
    )(h_pre, h_pre, pc2, bias1.reshape(1, h), w1t, w2t, fc2_b.reshape(1, -1),
      cpwt, cp_b.reshape(1, -1), wdlwt, wdlb_r)
    return cp, wdl


def kernel(x_white, x_black, piece_count, emb, bias1, fc2_w, fc2_b, cp_w, cp_b,
           wdl_w, wdl_b):
    x_all = jnp.concatenate([x_white, x_black], axis=0).astype(jnp.int32)
    sc = _make_sc_bag_sum(x_all.shape[0], x_all.shape[1], emb.shape[1])
    h_pre = sc(x_all.reshape(-1), emb)
    return _dense_tail(h_pre, piece_count, bias1, fc2_w, fc2_b, cp_w, cp_b,
                       wdl_w, wdl_b)

# --- scband reference (transcript-rebuilt; emitter-appended) ---
"""Pipeline reference for scband-eval-net-dual-81260781240519 (READ-ONLY COPY).

The authoritative reference and input builder live on the scoring server;
editing this copy changes nothing except your own understanding.
"""

import jax, jax.numpy as jnp
import numpy as np

INPUT_DIM = 12288
HIDDEN_DIM = 1024
HIDDEN2_DIM = 32
N_BUCKETS = 8
B = 16384
L = 32


def screlu(x):
    return jnp.clip(x, 0.0, 1.0) ** 2


def setup_inputs(seed: int = 0) -> dict:
    key = jax.random.key(seed)
    ks = jax.random.split(key, 12)
    x_white = jax.random.randint(ks[0], (B, L), 0, INPUT_DIM)
    x_black = jax.random.randint(ks[1], (B, L), 0, INPUT_DIM)
    piece_count = jax.random.randint(ks[2], (B,), 0, 33)
    emb = jax.random.uniform(ks[3], (INPUT_DIM + 1, HIDDEN_DIM), minval=-0.1, maxval=0.1, dtype=jnp.float32)
    bias1 = jnp.zeros((HIDDEN_DIM,), dtype=jnp.float32)
    fc2_w = jax.random.normal(ks[4], (HIDDEN2_DIM, HIDDEN_DIM * 2), dtype=jnp.float32) * 0.02
    fc2_b = jnp.zeros((HIDDEN2_DIM,), dtype=jnp.float32)
    cp_w = jax.random.normal(ks[5], (N_BUCKETS, HIDDEN2_DIM), dtype=jnp.float32) * 0.1
    cp_b = jnp.zeros((N_BUCKETS,), dtype=jnp.float32)
    wdl_w = jax.random.normal(ks[6], (N_BUCKETS * 3, HIDDEN2_DIM), dtype=jnp.float32) * 0.1
    wdl_b = jnp.zeros((N_BUCKETS * 3,), dtype=jnp.float32)
    return {
        "x_white": x_white,
        "x_black": x_black,
        "piece_count": piece_count,
        "emb": emb,
        "bias1": bias1,
        "fc2_w": fc2_w,
        "fc2_b": fc2_b,
        "cp_w": cp_w,
        "cp_b": cp_b,
        "wdl_w": wdl_w,
        "wdl_b": wdl_b,
    }


def reference(x_white, x_black, piece_count, emb, bias1, fc2_w, fc2_b, cp_w, cp_b, wdl_w, wdl_b):
    # EmbeddingBag(mode='sum'): gather rows then sum over bag dimension
    h_w = screlu(jnp.take(emb, x_white, axis=0).sum(axis=1) + bias1)
    h_b = screlu(jnp.take(emb, x_black, axis=0).sum(axis=1) + bias1)
    h = screlu(jnp.concatenate([h_w, h_b], axis=1) @ fc2_w.T + fc2_b)
    bucket = jnp.clip((piece_count - 2) * N_BUCKETS // 30, 0, N_BUCKETS - 1)
    cp_all = h @ cp_w.T + cp_b
    wdl_all = h @ wdl_w.T + wdl_b
    ar = jnp.arange(x_white.shape[0])
    cp = cp_all[ar, bucket][:, None]
    wdl = wdl_all.reshape(x_white.shape[0], N_BUCKETS, 3)[ar, bucket]
    return (cp, wdl)

if __name__ == "__main__":
    import jax
    _d = setup_inputs()
    print(jax.jit(kernel)(*tuple(_d.values())))

</pallas_src>

<mosaic_0001>
#map = affine_map<(d0, d1) -> (0)>
#map1 = affine_map<(d0, d1) -> (0, 0)>
module attributes {stable_mosaic.version = 14 : i64} {
  func.func @sc_bag_sum(%arg0: i32, %arg1: i32, %arg2: memref<1048576xi32, #tpu.memory_space<hbm>>, %arg3: memref<12289x1024xf32, #tpu.memory_space<hbm>>, %arg4: memref<32768x1024xf32, #tpu.memory_space<hbm>>, %arg5: memref<32768xi32, #tpu.memory_space<vmem>>, %arg6: memref<32x1024xf32, #tpu.memory_space<vmem>>, %arg7: memref<8x1024xf32, #tpu.memory_space<vmem>>, %arg8: memref<!tpu.dma_semaphore, #tpu.memory_space<semaphore_mem>>) attributes {dimension_semantics = [#tpu.dimension_semantics<core_parallel>, #tpu.dimension_semantics<subcore_parallel>], iteration_bounds = array<i64: 2, 16>, scalar_prefetch = 0 : i64, scratch_operands = 4 : i64, tpu.core_type = #tpu.core_type<sc_vector_subcore>, window_params = [{transform_indices = #map}, {transform_indices = #map1}, {transform_indices = #map1}]} {
    %mul3A = arith.constant 2 : i32
    %mul3A_0 = arith.muli %arg1, %mul3A : i32
    %add3A = arith.addi %mul3A_0, %arg0 : i32
    %mul3A_1 = arith.constant 1024 : i32
    %mul3A_2 = arith.muli %add3A, %mul3A_1 : i32
    %mul3A_3 = arith.constant 32 : i32
    %mul3A_4 = arith.muli %mul3A_2, %mul3A_3 : i32
    %multiple_of3A = tpu.assume_multiple %mul3A_4, 8 : i32
    "tpu.region"() ({
      %run_scoped3A = tpu.sem_alloc : memref<!tpu.dma_semaphore, #tpu.memory_space<semaphore_mem>>
      %dma_start3A = tpu.memref_slice %arg2[%multiple_of3A] : memref<1048576xi32, #tpu.memory_space<hbm>> -> memref<32768xi32, #tpu.memory_space<hbm>>
      %dma_start3A_10 = tpu.memref_slice %arg2[%multiple_of3A] : memref<1048576xi32, #tpu.memory_space<hbm>> -> memref<32768xi32, #tpu.memory_space<hbm>>
      tpu.enqueue_dma source(%dma_start3A_10 : memref<32768xi32, #tpu.memory_space<hbm>>) target(%arg5 : memref<32768xi32, #tpu.memory_space<vmem>>) target_semaphore(%run_scoped3A : memref<!tpu.dma_semaphore, #tpu.memory_space<semaphore_mem>>)
      %dma_wait3A = tpu.memref_slice %arg2[%multiple_of3A] : memref<1048576xi32, #tpu.memory_space<hbm>> -> memref<32768xi32, #tpu.memory_space<hbm>>
      %dma_wait3A_11 = tpu.memref_slice %arg2[%multiple_of3A] : memref<1048576xi32, #tpu.memory_space<hbm>> -> memref<32768xi32, #tpu.memory_space<hbm>>
      tpu.wait_dma2 semaphore(%run_scoped3A : memref<!tpu.dma_semaphore, #tpu.memory_space<semaphore_mem>>) src(%dma_wait3A_11 : memref<32768xi32, #tpu.memory_space<hbm>>) dst(%arg5 : memref<32768xi32, #tpu.memory_space<vmem>>)
      tpu.yield
    }) : () -> ()
    %scan3A = arith.constant 0 : i32
    %scan3A_5 = arith.constant 0 : i32
    %scan3A_6 = arith.constant 1024 : i32
    %scan3A_7 = arith.addi %scan3A_5, %scan3A_6 : i32
    %scan3A_8 = arith.constant 1 : i32
    scf.for %scan3A_10 = %scan3A_5 to %scan3A_7 step %scan3A_8  : i32 {
      %mul3A_11 = arith.constant 32 : i32
      %mul3A_12 = arith.muli %scan3A_10, %mul3A_11 : i32
      %dma_start3A = tpu.memref_slice %arg5[%mul3A_12] : memref<32768xi32, #tpu.memory_space<vmem>> -> memref<32xi32, #tpu.memory_space<vmem>>
      %dma_start3A_13 = arith.constant 0 : i32
      %dma_start3A_14 = arith.constant 0 : i32
      %dma_start3A_15 = tpu.memref_slice %arg3[%dma_start3A_13, %dma_start3A_14] : memref<12289x1024xf32, #tpu.memory_space<hbm>> -> memref<12289x1024xf32, #tpu.memory_space<hbm>>
      tpu.enqueue_indirect_dma source(%dma_start3A_15 : memref<12289x1024xf32, #tpu.memory_space<hbm>>) target(%arg6 : memref<32x1024xf32, #tpu.memory_space<vmem>>) offsets(%dma_start3A : memref<32xi32, #tpu.memory_space<vmem>>) semaphore(%arg8 : memref<!tpu.dma_semaphore, #tpu.memory_space<semaphore_mem>>)
      %dma_wait3A = tpu.memref_slice %arg5[%mul3A_12] : memref<32768xi32, #tpu.memory_space<vmem>> -> memref<32xi32, #tpu.memory_space<vmem>>
      %dma_wait3A_16 = arith.constant 0 : i32
      %dma_wait3A_17 = arith.constant 0 : i32
      %dma_wait3A_18 = tpu.memref_slice %arg3[%dma_wait3A_16, %dma_wait3A_17] : memref<12289x1024xf32, #tpu.memory_space<hbm>> -> memref<12289x1024xf32, #tpu.memory_space<hbm>>
      tpu.wait_indirect_dma semaphore(%arg8 : memref<!tpu.dma_semaphore, #tpu.memory_space<semaphore_mem>>) src(%dma_wait3A_18 : memref<12289x1024xf32, #tpu.memory_space<hbm>>) dst(%arg6 : memref<32x1024xf32, #tpu.memory_space<vmem>>)
      %rem3A = arith.constant 8 : i32
      %rem3A_19 = arith.remsi %scan3A_10, %rem3A : i32
      %scan3A_20 = arith.constant 0 : i32
      %scan3A_21 = arith.constant 0 : i32
      %scan3A_22 = arith.constant 64 : i32
      %scan3A_23 = arith.addi %scan3A_21, %scan3A_22 : i32
      %scan3A_24 = arith.constant 1 : i32
      scf.for %scan3A_28 = %scan3A_21 to %scan3A_23 step %scan3A_24  : i32 {
        %mul3A_29 = arith.constant 16 : i32
        %mul3A_30 = arith.muli %scan3A_28, %mul3A_29 : i32
        %get3A = arith.constant 0 : i32
        %get3A_31 = arith.index_cast %get3A : i32 to index
        %get3A_32 = arith.index_cast %mul3A_30 : i32 to index
        %get3A_33 = tpu.vector_load %arg6[%get3A_31, %get3A_32] {strides = array<i32>} : memref<32x1024xf32, #tpu.memory_space<vmem>>, vector<1x16xf32>,
        %get3A_34 = vector.shape_cast %get3A_33 : vector<1x16xf32> to vector<16xf32>
        %get3A_35 = arith.constant 1 : i32
        %get3A_36 = arith.index_cast %get3A_35 : i32 to index
        %get3A_37 = arith.index_cast %mul3A_30 : i32 to index
        %get3A_38 = tpu.vector_load %arg6[%get3A_36, %get3A_37] {strides = array<i32>} : memref<32x1024xf32, #tpu.memory_space<vmem>>, vector<1x16xf32>,
        %get3A_39 = vector.shape_cast %get3A_38 : vector<1x16xf32> to vector<16xf32>
        %add3A_40 = arith.addf %get3A_34, %get3A_39 : vector<16xf32>
        %get3A_41 = arith.constant 2 : i32
        %get3A_42 = arith.index_cast %get3A_41 : i32 to index
        %get3A_43 = arith.index_cast %mul3A_30 : i32 to index
        %get3A_44 = tpu.vector_load %arg6[%get3A_42, %get3A_43] {strides = array<i32>} : memref<32x1024xf32, #tpu.memory_space<vmem>>, vector<1x16xf32>,
        %get3A_45 = vector.shape_cast %get3A_44 : vector<1x16xf32> to vector<16xf32>
        %add3A_46 = arith.addf %add3A_40, %get3A_45 : vector<16xf32>
        %get3A_47 = arith.constant 3 : i32
        %get3A_48 = arith.index_cast %get3A_47 : i32 to index
        %get3A_49 = arith.index_cast %mul3A_30 : i32 to index
        %get3A_50 = tpu.vector_load %arg6[%get3A_48, %get3A_49] {strides = array<i32>} : memref<32x1024xf32, #tpu.memory_space<vmem>>, vector<1x16xf32>,
        %get3A_51 = vector.shape_cast %get3A_50 : vector<1x16xf32> to vector<16xf32>
        %add3A_52 = arith.addf %add3A_46, %get3A_51 : vector<16xf32>
        %get3A_53 = arith.constant 4 : i32
        %get3A_54 = arith.index_cast %get3A_53 : i32 to index
        %get3A_55 = arith.index_cast %mul3A_30 : i32 to index
        %get3A_56 = tpu.vector_load %arg6[%get3A_54, %get3A_55] {strides = array<i32>} : memref<32x1024xf32, #tpu.memory_space<vmem>>, vector<1x16xf32>,
        %get3A_57 = vector.shape_cast %get3A_56 : vector<1x16xf32> to vector<16xf32>
        %add3A_58 = arith.addf %add3A_52, %get3A_57 : vector<16xf32>
        %get3A_59 = arith.constant 5 : i32
        %get3A_60 = arith.index_cast %get3A_59 : i32 to index
        %get3A_61 = arith.index_cast %mul3A_30 : i32 to index
        %get3A_62 = tpu.vector_load %arg6[%get3A_60, %get3A_61] {strides = array<i32>} : memref<32x1024xf32, #tpu.memory_space<vmem>>, vector<1x16xf32>,
        %get3A_63 = vector.shape_cast %get3A_62 : vector<1x16xf32> to vector<16xf32>
        %add3A_64 = arith.addf %add3A_58, %get3A_63 : vector<16xf32>
        %get3A_65 = arith.constant 6 : i32
        %get3A_66 = arith.index_cast %get3A_65 : i32 to index
        %get3A_67 = arith.index_cast %mul3A_30 : i32 to index
        %get3A_68 = tpu.vector_load %arg6[%get3A_66, %get3A_67] {strides = array<i32>} : memref<32x1024xf32, #tpu.memory_space<vmem>>, vector<1x16xf32>,
        %get3A_69 = vector.shape_cast %get3A_68 : vector<1x16xf32> to vector<16xf32>
        %add3A_70 = arith.addf %add3A_64, %get3A_69 : vector<16xf32>
        %get3A_71 = arith.constant 7 : i32
        %get3A_72 = arith.index_cast %get3A_71 : i32 to index
        %get3A_73 = arith.index_cast %mul3A_30 : i32 to index
        %get3A_74 = tpu.vector_load %arg6[%get3A_72, %get3A_73] {strides = array<i32>} : memref<32x1024xf32, #tpu.memory_space<vmem>>, vector<1x16xf32>,
        %get3A_75 = vector.shape_cast %get3A_74 : vector<1x16xf32> to vector<16xf32>
        %add3A_76 = arith.addf %add3A_70, %get3A_75 : vector<16xf32>
        %get3A_77 = arith.constant 8 : i32
        %get3A_78 = arith.index_cast %get3A_77 : i32 to index
        %get3A_79 = arith.index_cast %mul3A_30 : i32 to index
        %get3A_80 = tpu.vector_load %arg6[%get3A_78, %get3A_79] {strides = array<i32>} : memref<32x1024xf32, #tpu.memory_space<vmem>>, vector<1x16xf32>,
        %get3A_81 = vector.shape_cast %get3A_80 : vector<1x16xf32> to vector<16xf32>
        %add3A_82 = arith.addf %add3A_76, %get3A_81 : vector<16xf32>
        %get3A_83 = arith.constant 9 : i32
        %get3A_84 = arith.index_cast %get3A_83 : i32 to index
        %get3A_85 = arith.index_cast %mul3A_30 : i32 to index
        %get3A_86 = tpu.vector_load %arg6[%get3A_84, %get3A_85] {strides = array<i32>} : memref<32x1024xf32, #tpu.memory_space<vmem>>, vector<1x16xf32>,
        %get3A_87 = vector.shape_cast %get3A_86 : vector<1x16xf32> to vector<16xf32>
        %add3A_88 = arith.addf %add3A_82, %get3A_87 : vector<16xf32>
        %get3A_89 = arith.constant 10 : i32
        %get3A_90 = arith.index_cast %get3A_89 : i32 to index
        %get3A_91 = arith.index_cast %mul3A_30 : i32 to index
        %get3A_92 = tpu.vector_load %arg6[%get3A_90, %get3A_91] {strides = array<i32>} : memref<32x1024xf32, #tpu.memory_space<vmem>>, vector<1x16xf32>,
        %get3A_93 = vector.shape_cast %get3A_92 : vector<1x16xf32> to vector<16xf32>
        %add3A_94 = arith.addf %add3A_88, %get3A_93 : vector<16xf32>
        %get3A_95 = arith.constant 11 : i32
        %get3A_96 = arith.index_cast %get3A_95 : i32 to index
        %get3A_97 = arith.index_cast %mul3A_30 : i32 to index
        %get3A_98 = tpu.vector_load %arg6[%get3A_96, %get3A_97] {strides = array<i32>} : memref<32x1024xf32, #tpu.memory_space<vmem>>, vector<1x16xf32>,
        %get3A_99 = vector.shape_cast %get3A_98 : vector<1x16xf32> to vector<16xf32>
        %add3A_100 = arith.addf %add3A_94, %get3A_99 : vector<16xf32>
        %get3A_101 = arith.constant 12 : i32
        %get3A_102 = arith.index_cast %get3A_101 : i32 to index
        %get3A_103 = arith.index_cast %mul3A_30 : i32 to index
        %get3A_104 = tpu.vector_load %arg6[%get3A_102, %get3A_103] {strides = array<i32>} : memref<32x1024xf32, #tpu.memory_space<vmem>>, vector<1x16xf32>,
        %get3A_105 = vector.shape_cast %get3A_104 : vector<1x16xf32> to vector<16xf32>
        %add3A_106 = arith.addf %add3A_100, %get3A_105 : vector<16xf32>
        %get3A_107 = arith.constant 13 : i32
        %get3A_108 = arith.index_cast %get3A_107 : i32 to index
        %get3A_109 = arith.index_cast %mul3A_30 : i32 to index
        %get3A_110 = tpu.vector_load %arg6[%get3A_108, %get3A_109] {strides = array<i32>} : memref<32x1024xf32, #tpu.memory_space<vmem>>, vector<1x16xf32>,
        %get3A_111 = vector.shape_cast %get3A_110 : vector<1x16xf32> to vector<16xf32>
        %add3A_112 = arith.addf %add3A_106, %get3A_111 : vector<16xf32>
        %get3A_113 = arith.constant 14 : i32
        %get3A_114 = arith.index_cast %get3A_113 : i32 to index
        %get3A_115 = arith.index_cast %mul3A_30 : i32 to index
        %get3A_116 = tpu.vector_load %arg6[%get3A_114, %get3A_115] {strides = array<i32>} : memref<32x1024xf32, #tpu.memory_space<vmem>>, vector<1x16xf32>,
        %get3A_117 = vector.shape_cast %get3A_116 : vector<1x16xf32> to vector<16xf32>
        %add3A_118 = arith.addf %add3A_112, %get3A_117 : vector<16xf32>
        %get3A_119 = arith.constant 15 : i32
        %get3A_120 = arith.index_cast %get3A_119 : i32 to index
        %get3A_121 = arith.index_cast %mul3A_30 : i32 to index
        %get3A_122 = tpu.vector_load %arg6[%get3A_120, %get3A_121] {strides = array<i32>} : memref<32x1024xf32, #tpu.memory_space<vmem>>, vector<1x16xf32>,
        %get3A_123 = vector.shape_cast %get3A_122 : vector<1x16xf32> to vector<16xf32>
        %add3A_124 = arith.addf %add3A_118, %get3A_123 : vector<16xf32>
        %get3A_125 = arith.constant 16 : i32
        %get3A_126 = arith.index_cast %get3A_125 : i32 to index
        %get3A_127 = arith.index_cast %mul3A_30 : i32 to index
        %get3A_128 = tpu.vector_load %arg6[%get3A_126, %get3A_127] {strides = array<i32>} : memref<32x1024xf32, #tpu.memory_space<vmem>>, vector<1x16xf32>,
        %get3A_129 = vector.shape_cast %get3A_128 : vector<1x16xf32> to vector<16xf32>
        %add3A_130 = arith.addf %add3A_124, %get3A_129 : vector<16xf32>
        %get3A_131 = arith.constant 17 : i32
        %get3A_132 = arith.index_cast %get3A_131 : i32 to index
        %get3A_133 = arith.index_cast %mul3A_30 : i32 to index
        %get3A_134 = tpu.vector_load %arg6[%get3A_132, %get3A_133] {strides = array<i32>} : memref<32x1024xf32, #tpu.memory_space<vmem>>, vector<1x16xf32>,
        %get3A_135 = vector.shape_cast %get3A_134 : vector<1x16xf32> to vector<16xf32>
        %add3A_136 = arith.addf %add3A_130, %get3A_135 : vector<16xf32>
        %get3A_137 = arith.constant 18 : i32
        %get3A_138 = arith.index_cast %get3A_137 : i32 to index
        %get3A_139 = arith.index_cast %mul3A_30 : i32 to index
        %get3A_140 = tpu.vector_load %arg6[%get3A_138, %get3A_139] {strides = array<i32>} : memref<32x1024xf32, #tpu.memory_space<vmem>>, vector<1x16xf32>,
        %get3A_141 = vector.shape_cast %get3A_140 : vector<1x16xf32> to vector<16xf32>
        %add3A_142 = arith.addf %add3A_136, %get3A_141 : vector<16xf32>
        %get3A_143 = arith.constant 19 : i32
        %get3A_144 = arith.index_cast %get3A_143 : i32 to index
        %get3A_145 = arith.index_cast %mul3A_30 : i32 to index
        %get3A_146 = tpu.vector_load %arg6[%get3A_144, %get3A_145] {strides = array<i32>} : memref<32x1024xf32, #tpu.memory_space<vmem>>, vector<1x16xf32>,
        %get3A_147 = vector.shape_cast %get3A_146 : vector<1x16xf32> to vector<16xf32>
        %add3A_148 = arith.addf %add3A_142, %get3A_147 : vector<16xf32>
        %get3A_149 = arith.constant 20 : i32
        %get3A_150 = arith.index_cast %get3A_149 : i32 to index
        %get3A_151 = arith.index_cast %mul3A_30 : i32 to index
        %get3A_152 = tpu.vector_load %arg6[%get3A_150, %get3A_151] {strides = array<i32>} : memref<32x1024xf32, #tpu.memory_space<vmem>>, vector<1x16xf32>,
        %get3A_153 = vector.shape_cast %get3A_152 : vector<1x16xf32> to vector<16xf32>
        %add3A_154 = arith.addf %add3A_148, %get3A_153 : vector<16xf32>
        %get3A_155 = arith.constant 21 : i32
        %get3A_156 = arith.index_cast %get3A_155 : i32 to index
        %get3A_157 = arith.index_cast %mul3A_30 : i32 to index
        %get3A_158 = tpu.vector_load %arg6[%get3A_156, %get3A_157] {strides = array<i32>} : memref<32x1024xf32, #tpu.memory_space<vmem>>, vector<1x16xf32>,
        %get3A_159 = vector.shape_cast %get3A_158 : vector<1x16xf32> to vector<16xf32>
        %add3A_160 = arith.addf %add3A_154, %get3A_159 : vector<16xf32>
        %get3A_161 = arith.constant 22 : i32
        %get3A_162 = arith.index_cast %get3A_161 : i32 to index
        %get3A_163 = arith.index_cast %mul3A_30 : i32 to index
        %get3A_164 = tpu.vector_load %arg6[%get3A_162, %get3A_163] {strides = array<i32>} : memref<32x1024xf32, #tpu.memory_space<vmem>>, vector<1x16xf32>,
        %get3A_165 = vector.shape_cast %get3A_164 : vector<1x16xf32> to vector<16xf32>
        %add3A_166 = arith.addf %add3A_160, %get3A_165 : vector<16xf32>
        %get3A_167 = arith.constant 23 : i32
        %get3A_168 = arith.index_cast %get3A_167 : i32 to index
        %get3A_169 = arith.index_cast %mul3A_30 : i32 to index
        %get3A_170 = tpu.vector_load %arg6[%get3A_168, %get3A_169] {strides = array<i32>} : memref<32x1024xf32, #tpu.memory_space<vmem>>, vector<1x16xf32>,
        %get3A_171 = vector.shape_cast %get3A_170 : vector<1x16xf32> to vector<16xf32>
        %add3A_172 = arith.addf %add3A_166, %get3A_171 : vector<16xf32>
        %get3A_173 = arith.constant 24 : i32
        %get3A_174 = arith.index_cast %get3A_173 : i32 to index
        %get3A_175 = arith.index_cast %mul3A_30 : i32 to index
        %get3A_176 = tpu.vector_load %arg6[%get3A_174, %get3A_175] {strides = array<i32>} : memref<32x1024xf32, #tpu.memory_space<vmem>>, vector<1x16xf32>,
        %get3A_177 = vector.shape_cast %get3A_176 : vector<1x16xf32> to vector<16xf32>
        %add3A_178 = arith.addf %add3A_172, %get3A_177 : vector<16xf32>
        %get3A_179 = arith.constant 25 : i32
        %get3A_180 = arith.index_cast %get3A_179 : i32 to index
        %get3A_181 = arith.index_cast %mul3A_30 : i32 to index
        %get3A_182 = tpu.vector_load %arg6[%get3A_180, %get3A_181] {strides = array<i32>} : memref<32x1024xf32, #tpu.memory_space<vmem>>, vector<1x16xf32>,
        %get3A_183 = vector.shape_cast %get3A_182 : vector<1x16xf32> to vector<16xf32>
        %add3A_184 = arith.addf %add3A_178, %get3A_183 : vector<16xf32>
        %get3A_185 = arith.constant 26 : i32
        %get3A_186 = arith.index_cast %get3A_185 : i32 to index
        %get3A_187 = arith.index_cast %mul3A_30 : i32 to index
        %get3A_188 = tpu.vector_load %arg6[%get3A_186, %get3A_187] {strides = array<i32>} : memref<32x1024xf32, #tpu.memory_space<vmem>>, vector<1x16xf32>,
        %get3A_189 = vector.shape_cast %get3A_188 : vector<1x16xf32> to vector<16xf32>
        %add3A_190 = arith.addf %add3A_184, %get3A_189 : vector<16xf32>
        %get3A_191 = arith.constant 27 : i32
        %get3A_192 = arith.index_cast %get3A_191 : i32 to index
        %get3A_193 = arith.index_cast %mul3A_30 : i32 to index
        %get3A_194 = tpu.vector_load %arg6[%get3A_192, %get3A_193] {strides = array<i32>} : memref<32x1024xf32, #tpu.memory_space<vmem>>, vector<1x16xf32>,
        %get3A_195 = vector.shape_cast %get3A_194 : vector<1x16xf32> to vector<16xf32>
        %add3A_196 = arith.addf %add3A_190, %get3A_195 : vector<16xf32>
        %get3A_197 = arith.constant 28 : i32
        %get3A_198 = arith.index_cast %get3A_197 : i32 to index
        %get3A_199 = arith.index_cast %mul3A_30 : i32 to index
        %get3A_200 = tpu.vector_load %arg6[%get3A_198, %get3A_199] {strides = array<i32>} : memref<32x1024xf32, #tpu.memory_space<vmem>>, vector<1x16xf32>,
        %get3A_201 = vector.shape_cast %get3A_200 : vector<1x16xf32> to vector<16xf32>
        %add3A_202 = arith.addf %add3A_196, %get3A_201 : vector<16xf32>
        %get3A_203 = arith.constant 29 : i32
        %get3A_204 = arith.index_cast %get3A_203 : i32 to index
        %get3A_205 = arith.index_cast %mul3A_30 : i32 to index
        %get3A_206 = tpu.vector_load %arg6[%get3A_204, %get3A_205] {strides = array<i32>} : memref<32x1024xf32, #tpu.memory_space<vmem>>, vector<1x16xf32>,
        %get3A_207 = vector.shape_cast %get3A_206 : vector<1x16xf32> to vector<16xf32>
        %add3A_208 = arith.addf %add3A_202, %get3A_207 : vector<16xf32>
        %get3A_209 = arith.constant 30 : i32
        %get3A_210 = arith.index_cast %get3A_209 : i32 to index
        %get3A_211 = arith.index_cast %mul3A_30 : i32 to index
        %get3A_212 = tpu.vector_load %arg6[%get3A_210, %get3A_211] {strides = array<i32>} : memref<32x1024xf32, #tpu.memory_space<vmem>>, vector<1x16xf32>,
        %get3A_213 = vector.shape_cast %get3A_212 : vector<1x16xf32> to vector<16xf32>
        %add3A_214 = arith.addf %add3A_208, %get3A_213 : vector<16xf32>
        %get3A_215 = arith.constant 31 : i32
        %get3A_216 = arith.index_cast %get3A_215 : i32 to index
        %get3A_217 = arith.index_cast %mul3A_30 : i32 to index
        %get3A_218 = tpu.vector_load %arg6[%get3A_216, %get3A_217] {strides = array<i32>} : memref<32x1024xf32, #tpu.memory_space<vmem>>, vector<1x16xf32>,
        %get3A_219 = vector.shape_cast %get3A_218 : vector<1x16xf32> to vector<16xf32>
        %add3A_220 = arith.addf %add3A_214, %get3A_219 : vector<16xf32>
        %swap3A = arith.index_cast %rem3A_19 : i32 to index
        %swap3A_221 = arith.index_cast %mul3A_30 : i32 to index
        %swap3A_222 = tpu.vector_load %arg7[%swap3A, %swap3A_221] {strides = array<i32>} : memref<8x1024xf32, #tpu.memory_space<vmem>>, vector<1x16xf32>,
        %swap3A_223 = vector.shape_cast %swap3A_222 : vector<1x16xf32> to vector<16xf32>
        %swap3A_224 = vector.shape_cast %add3A_220 : vector<16xf32> to vector<1x16xf32>
        tpu.vector_store %arg7[%swap3A, %swap3A_221], %swap3A_224 {strides = array<i32>} : memref<8x1024xf32, #tpu.memory_space<vmem>>, vector<1x16xf32>,
      }
      %scan3A_25 = arith.constant 64 : i32
      %eq3A = arith.constant 7 : i32
      %eq3A_26 = arith.cmpi eq, %rem3A_19, %eq3A : i32
      %convert_element_type3A = arith.extui %eq3A_26 : i1 to i32
      %cond3A = arith.constant 0 : i32
      %cond3A_27 = arith.cmpi ne, %convert_element_type3A, %cond3A : i32
      scf.if %cond3A_27 {
        %add3A_28 = arith.addi %mul3A_2, %scan3A_10 : i32
        %sub3A = arith.constant 7 : i32
        %sub3A_29 = arith.subi %add3A_28, %sub3A : i32
        %multiple_of3A_30 = tpu.assume_multiple %sub3A_29, 8 : i32
        "tpu.region"() ({
          %run_scoped3A = tpu.sem_alloc : memref<!tpu.dma_semaphore, #tpu.memory_space<semaphore_mem>>
          %dma_start3A_31 = arith.constant 0 : i32
          %dma_start3A_32 = tpu.memref_slice %arg4[%multiple_of3A_30, %dma_start3A_31] : memref<32768x1024xf32, #tpu.memory_space<hbm>> -> memref<8x1024xf32, #tpu.memory_space<hbm>>
          %dma_start3A_33 = arith.constant 0 : i32
          %dma_start3A_34 = tpu.memref_slice %arg4[%multiple_of3A_30, %dma_start3A_33] : memref<32768x1024xf32, #tpu.memory_space<hbm>> -> memref<8x1024xf32, #tpu.memory_space<hbm>>
          tpu.enqueue_dma source(%arg7 : memref<8x1024xf32, #tpu.memory_space<vmem>>) target(%dma_start3A_34 : memref<8x1024xf32, #tpu.memory_space<hbm>>) target_semaphore(%run_scoped3A : memref<!tpu.dma_semaphore, #tpu.memory_space<semaphore_mem>>)
          %dma_wait3A_35 = arith.constant 0 : i32
          %dma_wait3A_36 = tpu.memref_slice %arg4[%multiple_of3A_30, %dma_wait3A_35] : memref<32768x1024xf32, #tpu.memory_space<hbm>> -> memref<8x1024xf32, #tpu.memory_space<hbm>>
          %dma_wait3A_37 = arith.constant 0 : i32
          %dma_wait3A_38 = tpu.memref_slice %arg4[%multiple_of3A_30, %dma_wait3A_37] : memref<32768x1024xf32, #tpu.memory_space<hbm>> -> memref<8x1024xf32, #tpu.memory_space<hbm>>
          tpu.wait_dma2 semaphore(%run_scoped3A : memref<!tpu.dma_semaphore, #tpu.memory_space<semaphore_mem>>) src(%arg7 : memref<8x1024xf32, #tpu.memory_space<vmem>>) dst(%dma_wait3A_38 : memref<8x1024xf32, #tpu.memory_space<hbm>>)
          tpu.yield
        }) : () -> ()
      } else {
      }
    }
    %scan3A_9 = arith.constant 1024 : i32
    return
  }
}

module attributes {stable_mosaic.version = 14 : i64} {
  func.func @_dense_body(%arg0: i32, %arg1: memref<512x1024xf32, #tpu.memory_space<vmem>>, %arg2: memref<512x1024xf32, #tpu.memory_space<vmem>>, %arg3: memref<512x1xi32, #tpu.memory_space<vmem>>, %arg4: memref<1x1024xf32, #tpu.memory_space<vmem>>, %arg5: memref<1024x32xf32, #tpu.memory_space<vmem>>, %arg6: memref<1024x32xf32, #tpu.memory_space<vmem>>, %arg7: memref<1x32xf32, #tpu.memory_space<vmem>>, %arg8: memref<32x8xf32, #tpu.memory_space<vmem>>, %arg9: memref<1x8xf32, #tpu.memory_space<vmem>>, %arg10: memref<32x24xf32, #tpu.memory_space<vmem>>, %arg11: memref<1x24xf32, #tpu.memory_space<vmem>>, %arg12: memref<512x1xf32, #tpu.memory_space<vmem>>, %arg13: memref<512x3xf32, #tpu.memory_space<vmem>>) attributes {dimension_semantics = [#tpu.dimension_semantics<arbitrary>], iteration_bounds = array<i64: 32>, scalar_prefetch = 0 : i64, scratch_operands = 0 : i64, tpu.core_type = #tpu.core_type<tc>, window_params = [{transform_indices = @transform_0, window_bounds = array<i64: 512, 1024>}, {transform_indices = @transform_1, window_bounds = array<i64: 512, 1024>}, {transform_indices = @transform_2, window_bounds = array<i64: 512, 1>}, {pipeline_mode = #tpu.pipeline_mode<synchronous>, transform_indices = @transform_3, window_bounds = array<i64: 1, 1024>}, {pipeline_mode = #tpu.pipeline_mode<synchronous>, transform_indices = @transform_4, window_bounds = array<i64: 1024, 32>}, {pipeline_mode = #tpu.pipeline_mode<synchronous>, transform_indices = @transform_5, window_bounds = array<i64: 1024, 32>}, {pipeline_mode = #tpu.pipeline_mode<synchronous>, transform_indices = @transform_6, window_bounds = array<i64: 1, 32>}, {pipeline_mode = #tpu.pipeline_mode<synchronous>, transform_indices = @transform_7, window_bounds = array<i64: 32, 8>}, {pipeline_mode = #tpu.pipeline_mode<synchronous>, transform_indices = @transform_8, window_bounds = array<i64: 1, 8>}, {pipeline_mode = #tpu.pipeline_mode<synchronous>, transform_indices = @transform_9, window_bounds = array<i64: 32, 24>}, {pipeline_mode = #tpu.pipeline_mode<synchronous>, transform_indices = @transform_10, window_bounds = array<i64: 1, 24>}, {transform_indices = @transform_11, window_bounds = array<i64: 512, 1>}, {transform_indices = @transform_12, window_bounds = array<i64: 512, 3>}]} {
    %get3A = arith.constant 0 : index
    %get3A_0 = arith.constant 0 : index
    %get3A_1 = vector.load %arg1[%get3A, %get3A_0] : memref<512x1024xf32, #tpu.memory_space<vmem>>, vector<512x1024xf32>
    %get3A_2 = arith.constant 0 : index
    %get3A_3 = arith.constant 0 : index
    %get3A_4 = vector.load %arg4[%get3A_2, %get3A_3] : memref<1x1024xf32, #tpu.memory_space<vmem>>, vector<1x1024xf32>
    %add3A = vector.broadcast %get3A_4 : vector<1x1024xf32> to vector<512x1024xf32>
    %add3A_5 = arith.addf %get3A_1, %add3A : vector<512x1024xf32>
    %jit3A = arith.constant 0.000000e+00 : f32
    %jit3A_6 = arith.constant 1.000000e+00 : f32
    %max3A = vector.broadcast %jit3A : f32 to vector<512x1024xf32>
    %max3A_7 = arith.maximumf %max3A, %add3A_5 : vector<512x1024xf32>
    %min3A = vector.broadcast %jit3A_6 : f32 to vector<512x1024xf32>
    %min3A_8 = arith.minimumf %min3A, %max3A_7 : vector<512x1024xf32>
    %integer_pow3A = arith.mulf %min3A_8, %min3A_8 : vector<512x1024xf32>
    %get3A_9 = arith.constant 0 : index
    %get3A_10 = arith.constant 0 : index
    %get3A_11 = vector.load %arg2[%get3A_9, %get3A_10] : memref<512x1024xf32, #tpu.memory_space<vmem>>, vector<512x1024xf32>
    %get3A_12 = arith.constant 0 : index
    %get3A_13 = arith.constant 0 : index
    %get3A_14 = vector.load %arg4[%get3A_12, %get3A_13] : memref<1x1024xf32, #tpu.memory_space<vmem>>, vector<1x1024xf32>
    %add3A_15 = vector.broadcast %get3A_14 : vector<1x1024xf32> to vector<512x1024xf32>
    %add3A_16 = arith.addf %get3A_11, %add3A_15 : vector<512x1024xf32>
    %jit3A_17 = arith.constant 0.000000e+00 : f32
    %jit3A_18 = arith.constant 1.000000e+00 : f32
    %max3A_19 = vector.broadcast %jit3A_17 : f32 to vector<512x1024xf32>
    %max3A_20 = arith.maximumf %max3A_19, %add3A_16 : vector<512x1024xf32>
    %min3A_21 = vector.broadcast %jit3A_18 : f32 to vector<512x1024xf32>
    %min3A_22 = arith.minimumf %min3A_21, %max3A_20 : vector<512x1024xf32>
    %integer_pow3A_23 = arith.mulf %min3A_22, %min3A_22 : vector<512x1024xf32>
    %get3A_24 = arith.constant 0 : index
    %get3A_25 = arith.constant 0 : index
    %get3A_26 = vector.load %arg5[%get3A_24, %get3A_25] : memref<1024x32xf32, #tpu.memory_space<vmem>>, vector<1024x32xf32>
    %dot_general3A = arith.constant dense<0.000000e+00> : vector<512x32xf32>
    %dot_general3A_27 = tpu.matmul %integer_pow3A, %get3A_26, %dot_general3A {dimension_numbers = #tpu.dot_dimension_numbers<[1], [0], [0], [1], [0, 0, 1, 1], [], []>, transpose_lhs_hint = false} : vector<512x1024xf32>, vector<1024x32xf32>, vector<512x32xf32> -> vector<512x32xf32>
    %get3A_28 = arith.constant 0 : index
    %get3A_29 = arith.constant 0 : index
    %get3A_30 = vector.load %arg6[%get3A_28, %get3A_29] : memref<1024x32xf32, #tpu.memory_space<vmem>>, vector<1024x32xf32>
    %dot_general3A_31 = arith.constant dense<0.000000e+00> : vector<512x32xf32>
    %dot_general3A_32 = tpu.matmul %integer_pow3A_23, %get3A_30, %dot_general3A_31 {dimension_numbers = #tpu.dot_dimension_numbers<[1], [0], [0], [1], [0, 0, 1, 1], [], []>, transpose_lhs_hint = false} : vector<512x1024xf32>, vector<1024x32xf32>, vector<512x32xf32> -> vector<512x32xf32>
    %add3A_33 = arith.addf %dot_general3A_27, %dot_general3A_32 : vector<512x32xf32>
    %get3A_34 = arith.constant 0 : index
    %get3A_35 = arith.constant 0 : index
    %get3A_36 = vector.load %arg7[%get3A_34, %get3A_35] : memref<1x32xf32, #tpu.memory_space<vmem>>, vector<1x32xf32>
    %add3A_37 = vector.broadcast %get3A_36 : vector<1x32xf32> to vector<512x32xf32>
    %add3A_38 = arith.addf %add3A_33, %add3A_37 : vector<512x32xf32>
    %jit3A_39 = arith.constant 0.000000e+00 : f32
    %jit3A_40 = arith.constant 1.000000e+00 : f32
    %max3A_41 = vector.broadcast %jit3A_39 : f32 to vector<512x32xf32>
    %max3A_42 = arith.maximumf %max3A_41, %add3A_38 : vector<512x32xf32>
    %min3A_43 = vector.broadcast %jit3A_40 : f32 to vector<512x32xf32>
    %min3A_44 = arith.minimumf %min3A_43, %max3A_42 : vector<512x32xf32>
    %integer_pow3A_45 = arith.mulf %min3A_44, %min3A_44 : vector<512x32xf32>
    %get3A_46 = arith.constant 0 : index
    %get3A_47 = arith.constant 0 : index
    %get3A_48 = vector.load %arg8[%get3A_46, %get3A_47] : memref<32x8xf32, #tpu.memory_space<vmem>>, vector<32x8xf32>
    %dot_general3A_49 = arith.constant dense<0.000000e+00> : vector<512x8xf32>
    %dot_general3A_50 = tpu.matmul %integer_pow3A_45, %get3A_48, %dot_general3A_49 {dimension_numbers = #tpu.dot_dimension_numbers<[1], [0], [0], [1], [0, 0, 1, 1], [], []>, transpose_lhs_hint = false} : vector<512x32xf32>, vector<32x8xf32>, vector<512x8xf32> -> vector<512x8xf32>
    %get3A_51 = arith.constant 0 : index
    %get3A_52 = arith.constant 0 : index
    %get3A_53 = vector.load %arg9[%get3A_51, %get3A_52] : memref<1x8xf32, #tpu.memory_space<vmem>>, vector<1x8xf32>
    %add3A_54 = vector.broadcast %get3A_53 : vector<1x8xf32> to vector<512x8xf32>
    %add3A_55 = arith.addf %dot_general3A_50, %add3A_54 : vector<512x8xf32>
    %get3A_56 = arith.constant 0 : index
    %get3A_57 = arith.constant 0 : index
    %get3A_58 = vector.load %arg10[%get3A_56, %get3A_57] : memref<32x24xf32, #tpu.memory_space<vmem>>, vector<32x24xf32>
    %dot_general3A_59 = arith.constant dense<0.000000e+00> : vector<512x24xf32>
    %dot_general3A_60 = tpu.matmul %integer_pow3A_45, %get3A_58, %dot_general3A_59 {dimension_numbers = #tpu.dot_dimension_numbers<[1], [0], [0], [1], [0, 0, 1, 1], [], []>, transpose_lhs_hint = false} : vector<512x32xf32>, vector<32x24xf32>, vector<512x24xf32> -> vector<512x24xf32>
    %get3A_61 = arith.constant 0 : index
    %get3A_62 = arith.constant 0 : index
    %get3A_63 = vector.load %arg11[%get3A_61, %get3A_62] : memref<1x24xf32, #tpu.memory_space<vmem>>, vector<1x24xf32>
    %add3A_64 = vector.broadcast %get3A_63 : vector<1x24xf32> to vector<512x24xf32>
    %add3A_65 = arith.addf %dot_general3A_60, %add3A_64 : vector<512x24xf32>
    %get3A_66 = arith.constant 0 : index
    %get3A_67 = arith.constant 0 : index
    %get3A_68 = vector.load %arg3[%get3A_66, %get3A_67] : memref<512x1xi32, #tpu.memory_space<vmem>>, vector<512x1xi32>
    %sub3A = arith.constant 2 : i32
    %sub3A_69 = vector.broadcast %sub3A : i32 to vector<512x1xi32>
    %sub3A_70 = arith.subi %get3A_68, %sub3A_69 : vector<512x1xi32>
    %mul3A = arith.constant 8 : i32
    %mul3A_71 = vector.broadcast %mul3A : i32 to vector<512x1xi32>
    %mul3A_72 = arith.muli %sub3A_70, %mul3A_71 : vector<512x1xi32>
    %max3A_73 = arith.constant 0 : i32
    %max3A_74 = vector.broadcast %max3A_73 : i32 to vector<512x1xi32>
    %max3A_75 = arith.maxsi %mul3A_72, %max3A_74 : vector<512x1xi32>
    %mul3A_76 = arith.constant 1093 : i32
    %mul3A_77 = vector.broadcast %mul3A_76 : i32 to vector<512x1xi32>
    %mul3A_78 = arith.muli %max3A_75, %mul3A_77 : vector<512x1xi32>
    %shift_right_arithmetic3A = arith.constant 15 : i32
    %shift_right_arithmetic3A_79 = vector.broadcast %shift_right_arithmetic3A : i32 to vector<512x1xi32>
    %shift_right_arithmetic3A_80 = arith.shrsi %mul3A_78, %shift_right_arithmetic3A_79 : vector<512x1xi32>
    %min3A_81 = arith.constant 7 : i32
    %min3A_82 = vector.broadcast %min3A_81 : i32 to vector<512x1xi32>
    %min3A_83 = arith.minsi %shift_right_arithmetic3A_80, %min3A_82 : vector<512x1xi32>
    %iota3A = tpu.iota {dimensions = array<i32: 1>} : vector<512x8xi32>
    %eq3A = vector.broadcast %min3A_83 : vector<512x1xi32> to vector<512x8xi32>
    %eq3A_84 = arith.cmpi eq, %iota3A, %eq3A : vector<512x8xi32>
    %convert_element_type3A = arith.extui %eq3A_84 : vector<512x8xi1> to vector<512x8xi32>
    %convert_element_type3A_85 = arith.sitofp %convert_element_type3A : vector<512x8xi32> to vector<512x8xf32>
    %mul3A_86 = arith.mulf %add3A_55, %convert_element_type3A_85 : vector<512x8xf32>
    %reduce_sum3A = arith.constant dense<0.000000e+00> : vector<512xf32>
    %reduce_sum3A_87 = vector.multi_reduction <add>, %mul3A_86, %reduce_sum3A [1] : vector<512x8xf32> to vector<512xf32>
    %broadcast_in_dim3A = vector.shape_cast %reduce_sum3A_87 : vector<512xf32> to vector<512x1xf32>
    %swap3A = arith.constant 0 : index
    %swap3A_88 = arith.constant 0 : index
    %swap3A_89 = vector.load %arg12[%swap3A, %swap3A_88] : memref<512x1xf32, #tpu.memory_space<vmem>>, vector<512x1xf32>
    tpu.vector_store %arg12[%swap3A, %swap3A_88], %broadcast_in_dim3A {strides = array<i32>} : memref<512x1xf32, #tpu.memory_space<vmem>>, vector<512x1xf32>,
    %slice3A = vector.extract_strided_slice %add3A_65 {offsets = [0, 0], sizes = [512, 8], strides = [1, 1]} : vector<512x24xf32> to vector<512x8xf32>
    %mul3A_90 = arith.mulf %slice3A, %convert_element_type3A_85 : vector<512x8xf32>
    %reduce_sum3A_91 = arith.constant dense<0.000000e+00> : vector<512xf32>
    %reduce_sum3A_92 = vector.multi_reduction <add>, %mul3A_90, %reduce_sum3A_91 [1] : vector<512x8xf32> to vector<512xf32>
    %broadcast_in_dim3A_93 = vector.shape_cast %reduce_sum3A_92 : vector<512xf32> to vector<512x1xf32>
    %slice3A_94 = vector.extract_strided_slice %add3A_65 {offsets = [0, 8], sizes = [512, 8], strides = [1, 1]} : vector<512x24xf32> to vector<512x8xf32>
    %mul3A_95 = arith.mulf %slice3A_94, %convert_element_type3A_85 : vector<512x8xf32>
    %reduce_sum3A_96 = arith.constant dense<0.000000e+00> : vector<512xf32>
    %reduce_sum3A_97 = vector.multi_reduction <add>, %mul3A_95, %reduce_sum3A_96 [1] : vector<512x8xf32> to vector<512xf32>
    %broadcast_in_dim3A_98 = vector.shape_cast %reduce_sum3A_97 : vector<512xf32> to vector<512x1xf32>
    %slice3A_99 = vector.extract_strided_slice %add3A_65 {offsets = [0, 16], sizes = [512, 8], strides = [1, 1]} : vector<512x24xf32> to vector<512x8xf32>
    %mul3A_100 = arith.mulf %slice3A_99, %convert_element_type3A_85 : vector<512x8xf32>
    %reduce_sum3A_101 = arith.constant dense<0.000000e+00> : vector<512xf32>
    %reduce_sum3A_102 = vector.multi_reduction <add>, %mul3A_100, %reduce_sum3A_101 [1] : vector<512x8xf32> to vector<512xf32>
    %broadcast_in_dim3A_103 = vector.shape_cast %reduce_sum3A_102 : vector<512xf32> to vector<512x1xf32>
    %concatenate3A = tpu.concatenate %broadcast_in_dim3A_93, %broadcast_in_dim3A_98, %broadcast_in_dim3A_103 in 1 : vector<512x1xf32>, vector<512x1xf32>, vector<512x1xf32> -> vector<512x3xf32>
    %swap3A_104 = arith.constant 0 : index
    %swap3A_105 = arith.constant 0 : index
    %swap3A_106 = vector.load %arg13[%swap3A_104, %swap3A_105] : memref<512x3xf32, #tpu.memory_space<vmem>>, vector<512x3xf32>
    tpu.vector_store %arg13[%swap3A_104, %swap3A_105], %concatenate3A {strides = array<i32>} : memref<512x3xf32, #tpu.memory_space<vmem>>, vector<512x3xf32>,
    return
  }
  func.func @transform_0(%arg0: i32) -> (i32, i32) {
    %c0_i32 = arith.constant 0 : i32
    %c0_i32_0 = arith.constant 0 : i32
    return %arg0, %c0_i32 : i32, i32
  }
  func.func @transform_1(%arg0: i32) -> (i32, i32) {
    %add3A = arith.constant 32 : i32
    %add3A_0 = arith.addi %arg0, %add3A : i32
    %c0_i32 = arith.constant 0 : i32
    %c0_i32_1 = arith.constant 0 : i32
    return %add3A_0, %c0_i32 : i32, i32
  }
  func.func @transform_2(%arg0: i32) -> (i32, i32) {
    %c0_i32 = arith.constant 0 : i32
    %c0_i32_0 = arith.constant 0 : i32
    return %arg0, %c0_i32 : i32, i32
  }
  func.func @transform_3(%arg0: i32) -> (i32, i32) {
    %c0_i32 = arith.constant 0 : i32
    %c0_i32_0 = arith.constant 0 : i32
    %c0_i32_1 = arith.constant 0 : i32
    return %c0_i32, %c0_i32_0 : i32, i32
  }
  func.func @transform_4(%arg0: i32) -> (i32, i32) {
    %c0_i32 = arith.constant 0 : i32
    %c0_i32_0 = arith.constant 0 : i32
    %c0_i32_1 = arith.constant 0 : i32
    return %c0_i32, %c0_i32_0 : i32, i32
  }
  func.func @transform_5(%arg0: i32) -> (i32, i32) {
    %c0_i32 = arith.constant 0 : i32
    %c0_i32_0 = arith.constant 0 : i32
    %c0_i32_1 = arith.constant 0 : i32
    return %c0_i32, %c0_i32_0 : i32, i32
  }
  func.func @transform_6(%arg0: i32) -> (i32, i32) {
    %c0_i32 = arith.constant 0 : i32
    %c0_i32_0 = arith.constant 0 : i32
    %c0_i32_1 = arith.constant 0 : i32
    return %c0_i32, %c0_i32_0 : i32, i32
  }
  func.func @transform_7(%arg0: i32) -> (i32, i32) {
    %c0_i32 = arith.constant 0 : i32
    %c0_i32_0 = arith.constant 0 : i32
    %c0_i32_1 = arith.constant 0 : i32
    return %c0_i32, %c0_i32_0 : i32, i32
  }
  func.func @transform_8(%arg0: i32) -> (i32, i32) {
    %c0_i32 = arith.constant 0 : i32
    %c0_i32_0 = arith.constant 0 : i32
    %c0_i32_1 = arith.constant 0 : i32
    return %c0_i32, %c0_i32_0 : i32, i32
  }
  func.func @transform_9(%arg0: i32) -> (i32, i32) {
    %c0_i32 = arith.constant 0 : i32
    %c0_i32_0 = arith.constant 0 : i32
    %c0_i32_1 = arith.constant 0 : i32
    return %c0_i32, %c0_i32_0 : i32, i32
  }
  func.func @transform_10(%arg0: i32) -> (i32, i32) {
    %c0_i32 = arith.constant 0 : i32
    %c0_i32_0 = arith.constant 0 : i32
    %c0_i32_1 = arith.constant 0 : i32
    return %c0_i32, %c0_i32_0 : i32, i32
  }
  func.func @transform_11(%arg0: i32) -> (i32, i32) {
    %c0_i32 = arith.constant 0 : i32
    %c0_i32_0 = arith.constant 0 : i32
    return %arg0, %c0_i32 : i32, i32
  }
  func.func @transform_12(%arg0: i32) -> (i32, i32) {
    %c0_i32 = arith.constant 0 : i32
    %c0_i32_0 = arith.constant 0 : i32
    return %arg0, %c0_i32 : i32, i32
  }
}

</mosaic_0001>

<sc_bundles>
// kernel: kernel.4.cloned.1.call-start
scs
__scs_entry_jumppad:
0x0: {  	(pc) =	sbr.rel $0x88, $3  }
0x1: {  	(tag) =	ssettag $0x0;
	lr =	simm.s32 $0x1  }
0x2: {  	[smem:$0x3F96] =	sst lr;
	_ =	strace $0xD0000000  }
0x3: {  	_ = 	snop  }
0x4: {  	_ = 	snop  }
0x5: {  	_ = 	snop  }
0x6: {  	_ = 	snop  }
0x7: {  	_ = 	snop  }
__scs_overlays_trampoline_lowered:
0x8: {  	[smem:$0x3FA5] =	sst s0  }
0x9: {  	[smem:$0x3FA6] =	sst s1  }
0xa: {  	[smem:$0x3FA7] =	sst s2  }
0xb: {  	[smem:$0x3FA8] =	sst s3  }
0xc: {  	[smem:$0x3FA9] =	sst s4  }
0xd: {  	[smem:$0x3FAA] =	sst s5  }
0xe: {  	[smem:$0x3FAB] =	sst s6  }
0xf: {  	[smem:$0x3FAC] =	sst s7  }
0x10: {  	[smem:$0x3FAD] =	sst s8  }
0x11: {  	[smem:$0x3FAE] =	sst s9;
	s0 =	simm.s32 @!p0 $0x0  }
0x12: {  	s1 =	sld [smem:$0x3F94];
	s0 =	simm.s32 @p0 $0x1  }
0x13: {  	[smem:$0x3FAF] =	sst s0;
	s0 =	simm.s32 @!p1 $0x0  }
0x14: {  	s2 =	sld [smem:$0x3F93];
	s0 =	simm.s32 @p1 $0x1  }
0x15: {  	[smem:$0x3FB0] =	sst s0;
	s0 =	simm.s32 @!p2 $0x0  }
0x16: {  	s3 =	sld [smem:$0x3FDB];
	s0 =	simm.s32 @p2 $0x1  }
0x17: {  	s4 =	simm.s32 $0x1BF5;
	[smem:$0x3FB2] =	sst s0  }
0x18: {  	s0 =	sld [smem:$0x3F95];
	_ =	swait.ge [sflag:s4], $0x0  }
0x19: {  	s7 =	sld [smem:$0x3F96]  }
0x1a: {  	s8 =	sadd.s32 $0xFFFFE003, lr  }
0x1b: {  	s9 =	sadd.s32 $0xFFFFFEF7, lr;
	s5 =	simm.s32 $0xFFFFFFFF;
	p2 =	slt.u32 s8, $0xFFFFF086  }
0x1c: {  	p1 =	slt.u32 s9, $0xF7A;
	s5 =	simm.s32 @!p2 $0x0  }
0x1d: {  	s5 =	simm.s32 @p1 $0x1;
	p0 =	seq.s32 s7, s2  }
0x1e: {  	s7 =	smul.u32 @!p0 $0xF7A, s2;
	p2 =	seq.s32 @!p0 s5, $0x0  }
0x1f: {  	s9 =	smul.u32 $0xF7A, s1;
	s8 =	simm.s32 @!p0 $0x1BF5;
	p2 =	por !p2, p0  }
0x20: {  	[sflag:s8] =	ssyncset.s32 @!p0 $0xFFFFF086;
	s6 =	sadd.s32 @!p0 s3, s7;
	s7 =	simm.s32 @!p0 $0x108  }
0x21: {  	s3 =	sadd.s32 s3, s9;
	s6 =	sadd.s32 @!p0 $0x88, s6;
	s7 =	simm.s32 @p2 $0x1082  }
0x22: {  	[simem:s7], [sflag:s8] =	dma.local @!p0 [hbm:s6], $0xF7A  }
0x23: {  	s9 =	sor.u32 $0xD0000000, s2;
	s6 =	simm.s32 $0x108;
	_ =	swait.ge @!p0 [sflag:s8], $0x0  }
0x24: {  	s3 =	sadd.s32 $0x88, s3;
	s6 =	simm.s32 @!p1 $0x1082;
	[sflag:s4] =	ssyncset.s32 $0xFFFFF086  }
0x25: {  	[simem:s6], [sflag:s4] =	dma.local [hbm:s3], $0xF7A  }
0x26: {  	[smem:$0x3F96] =	sst s1;
	(tag) =	ssettag s2;
	_ =	strace s9  }
0x27: {  	s1 =	sld [smem:$0x3FA6]  }
0x28: {  	s2 =	sld [smem:$0x3FA7]  }
0x29: {  	s4 =	sld [smem:$0x3FA9]  }
0x2a: {  	p0 =	seq.s32 s5, $0x0;
	s5 =	sld [smem:$0x3FAA]  }
0x2b: {  	s6 =	sld [smem:$0x3FAB]  }
0x2c: {  	s7 =	sld [smem:$0x3FAC]  }
0x2d: {  	s3 =	simm.s32 $0x108;
	s8 =	sld [smem:$0x3FAD]  }
0x2e: {  	s3 =	simm.s32 @!p0 $0x1082;
	s9 =	sld [smem:$0x3FAE]  }
0x2f: {  	lr =	sadd.s32 s0, s3;
	s0 =	sld [smem:$0x3FA5]  }
0x30: {  	s3 =	sld [smem:$0x3FA8]  }
0x31: {  	[smem:$0x3FB1] =	sst s10  }
0x32: {  	s10 =	sld [smem:$0x3FAF];
	_ =	sdelay $0x3  }
0x33: {  	p0 =	seq.s32 s10, $0x1;
	s10 =	sld [smem:$0x3FB1];
	_ =	sdelay $0x3  }
0x34: {  	[smem:$0x3FB1] =	sst s10  }
0x35: {  	s10 =	sld [smem:$0x3FB0];
	_ =	sdelay $0x3  }
0x36: {  	p1 =	seq.s32 s10, $0x1;
	s10 =	sld [smem:$0x3FB1];
	_ =	sdelay $0x3  }
0x37: {  	[smem:$0x3FB1] =	sst s10  }
0x38: {  	s10 =	sld [smem:$0x3FB2]  }
0x39: {  	_ = 	snop;
	(pc) =	sbr.ind lr, $3  }
0x3a: {  	_ = 	snop  }
0x3b: {  	_ = 	snop  }
0x3c: {  	p2 =	seq.s32 s10, $0x1;
	s10 =	sld [smem:$0x3FB1]  }
0x3d: {  	_ =	shalt  }
0x3e: {  	_ =	shalt  }
0x3f: {  	_ =	shalt  }
0x40: {  	_ =	shalt  }
0x41: {  	_ =	shalt  }
0x42: {  	_ =	shalt  }
0x43: {  	_ =	shalt  }
0x44: {  	_ =	shalt  }
0x45: {  	_ =	shalt  }
0x46: {  	_ =	shalt  }
0x47: {  	_ =	shalt  }
0x48: {  	_ =	shalt  }
0x49: {  	_ =	shalt  }
0x4a: {  	_ =	shalt  }
0x4b: {  	_ =	shalt  }
0x4c: {  	_ =	shalt  }
0x4d: {  	_ =	shalt  }
0x4e: {  	_ =	shalt  }
0x4f: {  	_ =	shalt  }
0x50: {  	_ =	shalt  }
0x51: {  	_ =	shalt  }
0x52: {  	_ =	shalt  }
0x53: {  	_ =	shalt  }
0x54: {  	_ =	shalt  }
0x55: {  	_ =	shalt  }
0x56: {  	_ =	shalt  }
0x57: {  	_ =	shalt  }
0x58: {  	_ =	shalt  }
0x59: {  	_ =	shalt  }
0x5a: {  	_ =	shalt  }
0x5b: {  	_ =	shalt  }
0x5c: {  	_ =	shalt  }
0x5d: {  	_ =	shalt  }
0x5e: {  	_ =	shalt  }
0x5f: {  	_ =	shalt  }
0x60: {  	_ =	shalt  }
0x61: {  	_ =	shalt  }
0x62: {  	_ =	shalt  }
0x63: {  	_ =	shalt  }
0x64: {  	_ =	shalt  }
0x65: {  	_ =	shalt  }
0x66: {  	_ =	shalt  }
0x67: {  	_ =	shalt  }
0x68: {  	_ =	shalt  }
0x69: {  	_ =	shalt  }
0x6a: {  	_ =	shalt  }
0x6b: {  	_ =	shalt  }
0x6c: {  	_ =	shalt  }
0x6d: {  	_ =	shalt  }
0x6e: {  	_ =	shalt  }
0x6f: {  	_ =	shalt  }
0x70: {  	_ =	shalt  }
0x71: {  	_ =	shalt  }
0x72: {  	_ =	shalt  }
0x73: {  	_ =	shalt  }
0x74: {  	_ =	shalt  }
0x75: {  	_ =	shalt  }
0x76: {  	_ =	shalt  }
0x77: {  	_ =	shalt  }
0x78: {  	_ =	shalt  }
0x79: {  	_ =	shalt  }
0x7a: {  	_ =	shalt  }
0x7b: {  	_ =	shalt  }
0x7c: {  	_ =	shalt  }
0x7d: {  	_ =	shalt  }
0x7e: {  	_ =	shalt  }
0x7f: {  	_ =	shalt  }
0x80: {  	_ =	shalt  }
0x81: {  	_ =	shalt  }
0x82: {  	_ =	shalt  }
0x83: {  	_ =	shalt  }
0x84: {  	_ =	shalt  }
0x85: {  	_ =	shalt  }
0x86: {  	_ =	shalt  }
0x87: {  	_ =	shalt  }
.Lfunc_end0:
.L_simem_size_0:
called_computation_lowered:
.L_overlay_start_0:
0x88: {  	s2 =	sld [smem:$0x3FD9]  }
0x89: {  	s3 =	sld [smem:$0x3FFE];
	_ =	sdelay $0x1  }
0x8a: {  	s1 =	srdreg.scid  }
0x8b: {  	s0 =	sand.u32 $0x1, s1  }
0x8c: {  	s17 =	sshll.u32 s0, $0xA;
	s2 =	sadd.s32 s3, s2  }
0x8d: {  	s2 =	sadd.s32 s2, s17  }
0x8e: {  	[smem:$0x3FBD] =	sst s2  }
0x8f: {  	_ = 	snop  }
0x90: {  	s2 =	sld [smem:$0x3FC6];
	(tm) =	ssettm $0x1  }
0x91: {  	s18 =	sld [smem:$0x3FFB];
	_ =	sdelay $0x3  }
0x92: {  	_ =	strace s18  }
0x93: {  	s3 =	sld [smem:$0x3FFC];
	_ =	sdelay $0x3  }
0x94: {  	_ =	strace s3  }
0x95: {  	s3 =	sld [smem:$0x3FFD];
	_ =	sdelay $0x3  }
0x96: {  	_ =	strace s3  }
0x97: {  	_ =	strace $0x8FFFFFFF  }
0x98: {  	s19 =	sld [smem:$0x3FDB];
	_ =	sdelay $0x1  }
0x99: {  	s4 =	simm.s32 $_scs_section_size  }
0x9a: {  	s5 =	simm.s32 $_size__tile_overlayer_lowered;
	s6 =	simm.s32 $_tile_overlayer_lowered  }
0x9b: {  	s22 =	simm.s32 $0x1BFF;
	s21 =	sshll.u32 s6, $0x1;
	s3 =	sadd.s32 s4, s19  }
0x9c: {  	s7 =	simm.s32 $0x0;
	s20 =	sshll.u32 s5, $0x1;
	s5 =	sadd.s32 s21, s3  }
0x9d: {  	[timem:s7], [sflag:s22] =	dma.local [hbm:s5], s20  }
0x9e: {  	_ =	swait.ge [sflag:s22], s20  }
0x9f: {  	s4 =	ssub.s32 $0x0, s20;
	[sflag:s22] =	ssyncset.done $0x0  }
0xa0: {  	[sflag:s22] =	ssyncadd.s32 s4;
	_ =	sdelay $0x1  }
0xa1: {  	s23 =	simm.s32 $0x1B8B  }
0xa2: {  	_ =	swait.ge [sflag:s23], $0x1  }
0xa3: {  	[sflag:s23] =	ssyncset.done $0x0  }
0xa4: {  	s25 =	simm.s32 $0x1B8E;
	s24 =	sld [smem:$0x3FFE];
	[sflag:s23] =	ssyncadd.s32 $0xFFFFFFFF  }
0xa5: {  	s26 =	simm.s32 $execute0_lowered;
	[smem:$0x3FD2] =	sst s25  }
0xa6: {  	s5 =	sshll.u32 s26, $0x1;
	_ =	strace $0x80000046;
	[dreg:$0x1] =	wrdreg $0xFFFFFFFF  }
0xa7: {  	s28 =	simm.s32 $_size_execute0_lowered;
	s3 =	sadd.s32 s3, s5;
	[dreg:$0x0] =	wrdreg $0x0  }
0xa8: {  	s5 =	sshll.u32 s28, $0x1;
	[dreg:$0x2] =	wrdreg s3  }
0xa9: {  	[dreg:$0x3] =	wrdreg s5  }
0xaa: {  	[dreg:$0x4] =	wrdreg $0xC0  }
0xab: {  	_ =	task [dreg:s7], $0x5FFFF  }
0xac: {  	[dreg:$0x1] =	wrdreg $0xFFFFFFFF  }
0xad: {  	[dreg:$0x0] =	wrdreg $0x60  }
0xae: {  	[dreg:$0x2] =	wrdreg s24  }
0xaf: {  	[dreg:$0x3] =	wrdreg s2  }
0xb0: {  	[dreg:$0x4] =	wrdreg $0x9  }
0xb1: {  	_ =	task.clear_ibuf [dreg:s7], $0x5FFFF;
	_ =	strace $0x90000046  }
0xb2: {  	s29 =	simm.s32 $0x9;
	_ =	strace $0x80000048  }
0xb3: {  	_ =	swait.ge [sflag:s29], $0x1  }
0xb4: {  	[sflag:s29] =	ssyncadd.s32 $0xFFFFFFFF  }
0xb5: {  	_ =	strace $0x90000048  }
0xb6: {  	_ =	sfence  }
0xb7: {  	s30 =	sld [smem:$0x0];
	_ =	sdelay $0x2  }
0xb8: {  	s31 =	sshll.u32 s1, $0xD;
	s1 =	sshrl.u32 s1, $0x2  }
0xb9: {  	s3 =	sand.u32 $0x4000, s31;
	s1 =	sadd.s32 s1, s30  }
0xba: {  	s0 =	sor.u32 s3, s0;
	s1 =	sshll.u32 s1, $0x11  }
0xbb: {  	s0 =	sor.u32 s1, s0  }
0xbc: {  	s0 =	sadd.s32 $0x8F2B, s0  }
0xbd: {  	[sflag:s0] =	ssyncadd.remote.s32 $0x1  }
0xbe: {  	_ =	sfence.sel $0xFFFF  }
0xbf: {  	[dreg:$0x0] =	wrdreg $0xFFFFFFFF;
	(pc) =	sbr.abs _section_cstart, $3  }
0xc0: {  	[dreg:$0x1] =	wrdreg $0xFFFFFFFF  }
0xc1: {  	_ =	task.clear_ibuf [dreg:s7], $0x2FFFF;
	_ =	strace $0x9FFFFFFF  }
0xc2: {  	(tm) =	ssettm $0x7FFFFFFF  }
0xc3: {  	_ =	shalt  }
tec
execute0_lowered:
.L_overlay_start_1:
0x0: {  	(tag) =	ssettag $0x1  }
0x1: {  	s0 =	rddreg [dreg:$0x0]  }
0x2: {  	s2 =	rddreg [dreg:$0x1];
	s1 =	srdreg.scid  }
0x3: {  	s3 =	stileid.u32;
	s4 =	simm.s32 $0x0;
	s13 =	simm.s32 $0x8800  }
0x4: {  	s14 =	simm.s32 $0x9000;
	s15 =	simm.s32 $0x9800;
	s16 =	simm.s32 $0xA000  }
0x5: {  	s17 =	simm.s32 $0xA800;
	s18 =	simm.s32 $0xB000;
	s19 =	simm.s32 $0xB800  }
0x6: {  	s20 =	simm.s32 $0xC000;
	s21 =	simm.s32 $0xC800;
	s22 =	simm.s32 $0xD000  }
0x7: {  	s23 =	simm.s32 $0xD800;
	s24 =	simm.s32 $0xE000;
	s28 =	simm.s32 $0xF800  }
0x8: {  	s29 =	simm.s32 $0x1;
	s1 =	sand.u32 $0x1, s1;
	s3 =	sshll.u32 s3, $0x1  }
0x9: {  	[smem:$0x7FF] =	sst s4;
	s4 =	sadd.s32 $0x21800, s0;
	s6 =	sadd.s32 $0x100, s2  }
0xa: {  	s7 =	sadd.s32 $0x200, s2;
	s8 =	sadd.s32 $0x300, s2;
	s3 =	sor.u32 s1, s3  }
0xb: {  	_ =	strace $0x80000047;
	s1 =	ssub.s32 $0x2, s1;
	s25 =	sshll.u32 s3, $0xC  }
0xc: {  	s26 =	sshrl.u32 s1, $0x1;
	s31 =	sshll.u32 s3, $0x14;
	s5 =	sadd.s32 s25, s0  }
0xd: {  	v2 =	vlaneseq.u32;
	s0 =	ssub.s32 s1, s26;
	s9 =	sadd.s32 $0xFFFFE400, s31;
	s30 =	sadd.s32 $0x1800, s5  }
0xe: {  	vm0 =	vmmov $0xffff;
	v1 =	vshrl.u32 v2, $0x3;
	s25 =	simm.s32 $0xE800;
	s0 =	smax.u32 s0, $0x1;
	[dreg:$0x3] =	wrdreg s30  }
0xf: {  	v0 =	vand.u32 $0x7, v2;
	v2 =	vor.u32 $0x8, v2;
	v1 =	vmul.u32 $0x8, v1;
	s26 =	simm.s32 $0xF000;
	s1 =	simm.s32 $0x0;
	[dreg:$0x4] =	wrdreg s0  }
.LBB2_1:
0x10: {  	[dreg:$0x5] =	wrdreg s1  }
0x11: {  	s0 =	simm.s32 $0x0;
	s12 =	rddreg [dreg:$0x3];
	s30 =	simm.s32 $0x2  }
0x12: {  	[tilespmem:s0], [sflag:$0x2] =	stream.linear.gather [hbm4b:s12+s0], $0x8000, $0x38;
	[tilespmem:$0x12000] =	vst v63  }
0x13: {  	_ =	swait.ge [sflag:s30], $0x8000  }
0x14: {  	[sflag:s30] =	ssyncset.done $0x0  }
0x15: {  	s31 =	simm.s32 $0x0;
	[sflag:s30] =	ssyncadd.s32 $0xFFFF8000  }
.LBB2_2:
0x16: {  	s0 =	sshll.u32 s31, $0x7  }
0x17: {  	s1 =	sshrl.u32 s0, $0x2  }
0x18: {  	v3 =	vld [tilespmem:s1+$0x0];
	_ =	sdelay $0x4  }
0x19: {  	v4 =	vshll.u32 v3, $0x3  }
0x1a: {  	v3 =	vand.u32 $0x7, v3;
	v4 =	vand.u32 $0xFFFFFFC0, v4  }
0x1b: {  	v3 =	vor.u32 v3, v4  }
0x1c: {  	v4 =	vperm.xlane v3, v0;
	_ =	sdelay $0x1  }
0x1d: {  	v4 =	vadd.s32 v1, v4;
	_ =	sdelay $0x3  }
0x1e: {  	s10 =	simm.s32 $0x0;
	s3 =	simm.s32 $0x8000  }
0x1f: {  	[tilespmem:s3], [sflag:$0x1] =	stream.indirect_vreg.gather [hbm4b:s2+s10], $0x80, v4, vm0, $0xb8;
	[tilespmem:$0x12000] =	vst v63  }
0x20: {  	v3 =	vperm.xlane v3, v2  }
0x21: {  	[tilespmem:s13], [sflag:$0x1] =	stream.indirect_vreg.gather [hbm4b:s6+s10], $0x80, v4, vm0, $0xb8;
	[tilespmem:$0x12000] =	vst v63  }
0x22: {  	v3 =	vadd.s32 v1, v3  }
0x23: {  	[tilespmem:s14], [sflag:$0x1] =	stream.indirect_vreg.gather [hbm4b:s7+s10], $0x80, v4, vm0, $0xb8;
	[tilespmem:$0x12000] =	vst v63  }
0x24: {  	_ = 	snop  }
0x25: {  	[tilespmem:s15], [sflag:$0x1] =	stream.indirect_vreg.gather [hbm4b:s8+s10], $0x80, v4, vm0, $0xb8;
	[tilespmem:$0x12000] =	vst v63  }
0x26: {  	_ = 	snop  }
0x27: {  	[tilespmem:s16], [sflag:$0x1] =	stream.indirect_vreg.gather [hbm4b:s2+s10], $0x80, v3, vm0, $0xb8;
	[tilespmem:$0x12000] =	vst v63  }
0x28: {  	_ = 	snop  }
0x29: {  	[tilespmem:s17], [sflag:$0x1] =	stream.indirect_vreg.gather [hbm4b:s6+s10], $0x80, v3, vm0, $0xb8;
	[tilespmem:$0x12000] =	vst v63  }
0x2a: {  	_ = 	snop  }
0x2b: {  	[tilespmem:s18], [sflag:$0x1] =	stream.indirect_vreg.gather [hbm4b:s7+s10], $0x80, v3, vm0, $0xb8;
	[tilespmem:$0x12000] =	vst v63  }
0x2c: {  	_ = 	snop  }
0x2d: {  	[tilespmem:s19], [sflag:$0x1] =	stream.indirect_vreg.gather [hbm4b:s8+s10], $0x80, v3, vm0, $0xb8;
	[tilespmem:$0x12000] =	vst v63  }
0x2e: {  	v3 =	vld [tilespmem:s1+$0x10];
	_ =	sdelay $0x4  }
0x2f: {  	v63 =	vshll.u32 v3, $0x3  }
0x30: {  	v3 =	vand.u32 $0x7, v3;
	v4 =	vand.u32 $0xFFFFFFC0, v63  }
0x31: {  	v3 =	vor.u32 v3, v4  }
0x32: {  	v4 =	vperm.xlane v3, v0;
	_ =	sdelay $0x1  }
0x33: {  	v4 =	vadd.s32 v1, v4;
	_ =	sdelay $0x4  }
0x34: {  	[tilespmem:s20], [sflag:$0x1] =	stream.indirect_vreg.gather [hbm4b:s2+s10], $0x80, v4, vm0, $0xb8;
	[tilespmem:$0x12000] =	vst v63  }
0x35: {  	v3 =	vperm.xlane v3, v2  }
0x36: {  	[tilespmem:s21], [sflag:$0x1] =	stream.indirect_vreg.gather [hbm4b:s6+s10], $0x80, v4, vm0, $0xb8;
	[tilespmem:$0x12000] =	vst v63  }
0x37: {  	v3 =	vadd.s32 v1, v3  }
0x38: {  	[tilespmem:s22], [sflag:$0x1] =	stream.indirect_vreg.gather [hbm4b:s7+s10], $0x80, v4, vm0, $0xb8;
	[tilespmem:$0x12000] =	vst v63  }
0x39: {  	_ = 	snop  }
0x3a: {  	[tilespmem:s23], [sflag:$0x1] =	stream.indirect_vreg.gather [hbm4b:s8+s10], $0x80, v4, vm0, $0xb8;
	[tilespmem:$0x12000] =	vst v63  }
0x3b: {  	_ = 	snop  }
0x3c: {  	[tilespmem:s24], [sflag:$0x1] =	stream.indirect_vreg.gather [hbm4b:s2+s10], $0x80, v3, vm0, $0xb8;
	[tilespmem:$0x12000] =	vst v63  }
0x3d: {  	_ = 	snop  }
0x3e: {  	[tilespmem:s25], [sflag:$0x1] =	stream.indirect_vreg.gather [hbm4b:s6+s10], $0x80, v3, vm0, $0xb8;
	[tilespmem:$0x12000] =	vst v63  }
0x3f: {  	_ = 	snop  }
0x40: {  	[tilespmem:s26], [sflag:$0x1] =	stream.indirect_vreg.gather [hbm4b:s7+s10], $0x80, v3, vm0, $0xb8;
	[tilespmem:$0x12000] =	vst v63  }
0x41: {  	s30 =	simm.s32 $0x10  }
0x42: {  	[tilespmem:s28], [sflag:$0x1] =	stream.indirect_vreg.gather [hbm4b:s8+s10], $0x80, v3, vm0, $0xb8;
	[tilespmem:$0x12000] =	vst v63  }
0x43: {  	s11 =	simm.s32 $0x0;
	s0 =	sand.u32 $0x380, s0;
	_ =	swait.ge [sflag:s29], $0x8000  }
0x44: {  	s3 =	sand.u32 $0x1C00, s10;
	s1 =	sand.u32 $0x70, s10;
	[sflag:s29] =	ssyncset.done $0x0  }
0x45: {  	s0 =	sor.u32 $0x10000, s0;
	s5 =	sor.u32 s1, s3;
	[sflag:s29] =	ssyncadd.s32 $0xFFFF8000  }
.LBB2_3:
0x46: {  	p0 =	sne.s32 s30, $0x3F0;
	v3 =	vld [tilespmem:s5+$0x8080]  }
0x47: {  	v4 =	vld [tilespmem:s5+$0x8000];
	_ =	sdelay $0x1  }
0x48: {  	v5 =	vld [tilespmem:s5+$0x8100];
	_ =	sdelay $0x1  }
0x49: {  	v6 =	vld [tilespmem:s5+$0x8180]  }
0x4a: {  	v3 =	vadd.f32 v3, v4  }
0x4b: {  	v4 =	vld [tilespmem:s5+$0x8200]  }
0x4c: {  	v3 =	vadd.f32 v5, v3  }
0x4d: {  	v5 =	vld [tilespmem:s5+$0x8280]  }
0x4e: {  	v3 =	vadd.f32 v6, v3  }
0x4f: {  	s12 =	sor.u32 s11, s10;
	s10 =	smov.u32 s30;
	v6 =	vld [tilespmem:s5+$0x8300]  }
0x50: {  	s12 =	sor.u32 $0x380, s12;
	v3 =	vadd.f32 v4, v3  }
0x51: {  	v4 =	vld [tilespmem:s12+$0x8000]  }
0x52: {  	v3 =	vadd.f32 v5, v3  }
0x53: {  	v5 =	vld [tilespmem:s5+$0xA000]  }
0x54: {  	v3 =	vadd.f32 v6, v3  }
0x55: {  	v6 =	vld [tilespmem:s5+$0xA080]  }
0x56: {  	v3 =	vadd.f32 v4, v3  }
0x57: {  	v4 =	vld [tilespmem:s5+$0xA100]  }
0x58: {  	v3 =	vadd.f32 v5, v3  }
0x59: {  	v5 =	vld [tilespmem:s5+$0xA180]  }
0x5a: {  	v3 =	vadd.f32 v6, v3  }
0x5b: {  	v6 =	vld [tilespmem:s5+$0xA200]  }
0x5c: {  	v3 =	vadd.f32 v4, v3  }
0x5d: {  	v4 =	vld [tilespmem:s5+$0xA280]  }
0x5e: {  	v3 =	vadd.f32 v5, v3  }
0x5f: {  	v5 =	vld [tilespmem:s5+$0xA300]  }
0x60: {  	v3 =	vadd.f32 v6, v3  }
0x61: {  	v6 =	vld [tilespmem:s5+$0xA380]  }
0x62: {  	v3 =	vadd.f32 v4, v3  }
0x63: {  	v4 =	vld [tilespmem:s5+$0xC000]  }
0x64: {  	v3 =	vadd.f32 v5, v3  }
0x65: {  	v5 =	vld [tilespmem:s5+$0xC080]  }
0x66: {  	v3 =	vadd.f32 v6, v3  }
0x67: {  	v6 =	vld [tilespmem:s5+$0xC100]  }
0x68: {  	v3 =	vadd.f32 v4, v3  }
0x69: {  	v4 =	vld [tilespmem:s5+$0xC180]  }
0x6a: {  	v3 =	vadd.f32 v5, v3  }
0x6b: {  	v5 =	vld [tilespmem:s5+$0xC200]  }
0x6c: {  	v3 =	vadd.f32 v6, v3  }
0x6d: {  	v6 =	vld [tilespmem:s5+$0xC280]  }
0x6e: {  	v3 =	vadd.f32 v4, v3  }
0x6f: {  	v4 =	vld [tilespmem:s5+$0xC300]  }
0x70: {  	v3 =	vadd.f32 v5, v3  }
0x71: {  	v5 =	vld [tilespmem:s5+$0xC380]  }
0x72: {  	v3 =	vadd.f32 v6, v3  }
0x73: {  	v6 =	vld [tilespmem:s5+$0xE000]  }
0x74: {  	v3 =	vadd.f32 v4, v3  }
0x75: {  	v4 =	vld [tilespmem:s5+$0xE080]  }
0x76: {  	v3 =	vadd.f32 v5, v3  }
0x77: {  	v5 =	vld [tilespmem:s5+$0xE100]  }
0x78: {  	v3 =	vadd.f32 v6, v3  }
0x79: {  	v6 =	vld [tilespmem:s5+$0xE180]  }
0x7a: {  	v3 =	vadd.f32 v4, v3  }
0x7b: {  	v4 =	vld [tilespmem:s5+$0xE200]  }
0x7c: {  	v3 =	vadd.f32 v5, v3  }
0x7d: {  	v5 =	vld [tilespmem:s5+$0xE280]  }
0x7e: {  	v3 =	vadd.f32 v6, v3  }
0x7f: {  	v6 =	vld [tilespmem:s5+$0xE300]  }
0x80: {  	v3 =	vadd.f32 v4, v3  }
0x81: {  	v4 =	vld [tilespmem:s5+$0xE380]  }
0x82: {  	v3 =	vadd.f32 v5, v3;
	_ =	sdelay $0x1  }
.Ltmp0:
0x83: {  	v3 =	vadd.f32 v6, v3;
	(pc) =	sbr.rel @p0 .LBB2_3-.Ltmp0, $4  }
0x84: {  	_ = 	snop  }
0x85: {  	s11 =	sadd.s32 $0x80, s11;
	s5 =	sadd.s32 s3, s0;
	v3 =	vadd.f32 v4, v3  }
0x86: {  	s3 =	sand.u32 $0x1C00, s11;
	s12 =	sadd.s32 s1, s5;
	s1 =	sand.u32 $0x70, s30  }
0x87: {  	s30 =	sadd.s32 $0x10, s30;
	s5 =	sor.u32 s1, s3;
	[tilespmem:s12+$0x0] =	vst v3  }
0x88: {  	v3 =	vld [tilespmem:s5+$0x8080]  }
0x89: {  	v4 =	vld [tilespmem:s5+$0x8000];
	_ =	sdelay $0x1  }
0x8a: {  	v5 =	vld [tilespmem:s5+$0x8100];
	_ =	sdelay $0x1  }
0x8b: {  	v6 =	vld [tilespmem:s5+$0x8180]  }
0x8c: {  	v3 =	vadd.f32 v3, v4  }
0x8d: {  	v36 =	vld [tilespmem:s5+$0x8200]  }
0x8e: {  	v3 =	vadd.f32 v5, v3  }
0x8f: {  	v37 =	vld [tilespmem:s5+$0x8280]  }
0x90: {  	v3 =	vadd.f32 v6, v3  }
0x91: {  	v38 =	vld [tilespmem:s5+$0x8300];
	s10 =	sor.u32 s11, s10  }
0x92: {  	s10 =	sor.u32 $0x380, s10;
	v3 =	vadd.f32 v36, v3  }
0x93: {  	v39 =	vld [tilespmem:s10+$0x8000]  }
0x94: {  	v3 =	vadd.f32 v37, v3  }
0x95: {  	v40 =	vld [tilespmem:s5+$0xA000]  }
0x96: {  	v3 =	vadd.f32 v38, v3  }
0x97: {  	v41 =	vld [tilespmem:s5+$0xA080]  }
0x98: {  	v3 =	vadd.f32 v39, v3  }
0x99: {  	v42 =	vld [tilespmem:s5+$0xA100]  }
0x9a: {  	v3 =	vadd.f32 v40, v3  }
0x9b: {  	v43 =	vld [tilespmem:s5+$0xA180]  }
0x9c: {  	v3 =	vadd.f32 v41, v3  }
0x9d: {  	v44 =	vld [tilespmem:s5+$0xA200]  }
0x9e: {  	v3 =	vadd.f32 v42, v3  }
0x9f: {  	v45 =	vld [tilespmem:s5+$0xA280]  }
0xa0: {  	v3 =	vadd.f32 v43, v3  }
0xa1: {  	v46 =	vld [tilespmem:s5+$0xA300]  }
0xa2: {  	v3 =	vadd.f32 v44, v3  }
0xa3: {  	v47 =	vld [tilespmem:s5+$0xA380]  }
0xa4: {  	v3 =	vadd.f32 v45, v3  }
0xa5: {  	v48 =	vld [tilespmem:s5+$0xC000]  }
0xa6: {  	v3 =	vadd.f32 v46, v3  }
0xa7: {  	v49 =	vld [tilespmem:s5+$0xC080]  }
0xa8: {  	v3 =	vadd.f32 v47, v3  }
0xa9: {  	v50 =	vld [tilespmem:s5+$0xC100]  }
0xaa: {  	v3 =	vadd.f32 v48, v3  }
0xab: {  	v51 =	vld [tilespmem:s5+$0xC180]  }
0xac: {  	v3 =	vadd.f32 v49, v3  }
0xad: {  	v52 =	vld [tilespmem:s5+$0xC200]  }
0xae: {  	v3 =	vadd.f32 v50, v3  }
0xaf: {  	v53 =	vld [tilespmem:s5+$0xC280]  }
0xb0: {  	v3 =	vadd.f32 v51, v3  }
0xb1: {  	v54 =	vld [tilespmem:s5+$0xC300]  }
0xb2: {  	v3 =	vadd.f32 v52, v3  }
0xb3: {  	v55 =	vld [tilespmem:s5+$0xC380]  }
0xb4: {  	v3 =	vadd.f32 v53, v3  }
0xb5: {  	v56 =	vld [tilespmem:s5+$0xE000]  }
0xb6: {  	v3 =	vadd.f32 v54, v3  }
0xb7: {  	v57 =	vld [tilespmem:s5+$0xE080]  }
0xb8: {  	v3 =	vadd.f32 v55, v3  }
0xb9: {  	v58 =	vld [tilespmem:s5+$0xE100]  }
0xba: {  	v3 =	vadd.f32 v56, v3  }
0xbb: {  	v59 =	vld [tilespmem:s5+$0xE180]  }
0xbc: {  	v3 =	vadd.f32 v57, v3  }
0xbd: {  	v60 =	vld [tilespmem:s5+$0xE200]  }
0xbe: {  	v3 =	vadd.f32 v58, v3  }
0xbf: {  	v61 =	vld [tilespmem:s5+$0xE280]  }
0xc0: {  	v3 =	vadd.f32 v59, v3  }
0xc1: {  	v62 =	vld [tilespmem:s5+$0xE300]  }
0xc2: {  	v3 =	vadd.f32 v60, v3  }
0xc3: {  	v63 =	vld [tilespmem:s5+$0xE380]  }
0xc4: {  	v3 =	vadd.f32 v61, v3  }
0xc5: {  	s30 =	sand.u32 $0x7, s31  }
0xc6: {  	p0 =	sne.s32 s30, $0x7;
	v3 =	vadd.f32 v62, v3  }
0xc7: {  	s5 =	sshll.u32 @!p0 s31, $0xA  }
0xc8: {  	s0 =	sadd.s32 s3, s0;
	s31 =	sadd.s32 $0x1, s31;
	s3 =	sadd.s32 @!p0 s5, s9;
	v3 =	vadd.f32 v63, v3  }
0xc9: {  	s0 =	sadd.s32 s1, s0;
	p1 =	sne.s32 s31, $0x400;
	s1 =	sshrl.u32 @!p0 s3, $0x3  }
0xca: {  	s3 =	simm.s32 @!p0 $0x10000;
	[tilespmem:s0+$0x0] =	vst v3;
	s0 =	sadd.s32 @!p0 s4, s1;
	s1 =	simm.s32 @!p0 $0x0  }
0xcb: {  	[hbm4b:s0+s1] =	stream.linear.scatter @!p0 [tilespmem:s3], [sflag:$0x2], $0x2000, $0x38;
	[tilespmem:$0x12000] =	vst v63  }
.Ltmp1:
0xcc: {  	_ = 	snop;
	(pc) =	sbr.rel @p1 .LBB2_2-.Ltmp1, $4  }
0xcd: {  	s0 =	simm.s32 @!p0 $0x2  }
0xce: {  	_ =	swait.ge @!p0 [sflag:s0], $0x2000  }
0xcf: {  	[sflag:s0] =	ssyncset.done @!p0 $0x0  }
0xd0: {  	[sflag:s0] =	ssyncadd.s32 @!p0 $0xFFFFE000  }
0xd1: {  	s1 =	rddreg [dreg:$0x5]  }
0xd2: {  	s0 =	rddreg [dreg:$0x4];
	s1 =	sadd.s32 $0x1, s1  }
0xd3: {  	p0 =	sne.s32 s1, s0  }
.Ltmp2:
0xd4: {  	_ = 	snop;
	(pc) =	sbr.rel @p0 .LBB2_1-.Ltmp2, $1  }
0xd5: {  	_ =	sdelay $0x3  }
0xd6: {  	_ =	sfence.sel $0x180000  }
0xd7: {  	[bflag:$0x0] =	sbarrier.arrive $0xFFFF  }
0xd8: {  	_ =	strace $0x90000047  }
0xd9: {  	s0 =	stileid.u32;
	[bflag:$0x2] =	sbarrier.arrive $0xFFFF  }
0xda: {  	p0 =	sne.s32 s0, $0x0;
	s0 =	rddreg [dreg:$0x2]  }
0xdb: {  	s0 =	sadd.s32 @!p0 $0x100000, s0  }
0xdc: {  	[sflag:s0] =	ssyncadd.tile.s32 @!p0 $0x1;
	_ =	shalt  }
.Lfunc_end2:
_tile_overlayer_lowered:
.L_overlay_start_2:
0xdd: {  	(tag) =	ssettag $0x2  }
0xde: {  	s0 =	rddreg [dreg:$0x0];
	s2 =	stileid.u32  }
0xdf: {  	s1 =	rddreg [dreg:$0x1];
	p0 =	sne.s32 s2, $0x0  }
0xe0: {  	s3 =	rddreg [dreg:$0x2];
	[bflag:$0x3] =	sbarrier.arrive $0xFFFF;
	s2 =	simm.s32 @!p0 $0x1C02  }
0xe1: {  	[timem:s3], [sflag:s2] =	dma.local @!p0 [hbm:s0], s1  }
0xe2: {  	s0 =	simm.s32 @!p0 $0x2  }
0xe3: {  	_ =	swait.ge @!p0 [sflag:s0], s1  }
0xe4: {  	s1 =	ssub.s32 @!p0 $0x0, s1;
	[sflag:s0] =	ssyncset.done @!p0 $0x0  }
0xe5: {  	[sflag:s0] =	ssyncadd.s32 @!p0 s1  }
0xe6: {  	[bflag:$0x3] =	sbarrier.arrive $0xFFFF  }
0xe7: {  	_ =	shalt  }

</sc_bundles>
